<compile_context>
chip_gen: v7x
topology: tpu7x:2x2x1
jax: 0.10.2.dev20260603
libtpu: 0.0.44.dev20260713+nightly
codegen_flags: <defaults>
</compile_context>

<pallas_src>
import functools

import jax
import jax.numpy as jnp
from jax import lax
from jax.experimental import pallas as pl
from jax.experimental.pallas import tpu as pltpu
from jax.experimental.pallas import tpu_sc as plsc

B = 16384
S = 200
D = 32
HID = 128
OUT = 64

NC = 2
NS = 16
NW = NC * NS
BPW = B // NW
G = 8
NG = BPW // G
IPG = G * S
NBUF = 4

TAIL = S - 128


def _pool_body(x_hbm, table_hbm, out_hbm, idx_v, rows_v, out_v, idx_sem, gat_sem):
    wid = lax.axis_index("s") * NC + lax.axis_index("c")
    base = wid * BPW

    def start_gathers(slot):
        for i in range(G):
            pltpu.async_copy(
                table_hbm.at[idx_v.at[slot, 0, i]],
                rows_v.at[slot, pl.ds(i * S, 128)],
                gat_sem,
            )
            pltpu.async_copy(
                table_hbm.at[idx_v.at[slot, 1, i, pl.ds(0, TAIL)]],
                rows_v.at[slot, pl.ds(i * S + 128, TAIL)],
                gat_sem,
            )

    def drain_gathers(slot):
        for i in range(G):
            pltpu.make_async_copy(
                table_hbm.at[idx_v.at[slot, 0, i]],
                rows_v.at[slot, pl.ds(i * S, 128)],
                gat_sem,
            ).wait()
            pltpu.make_async_copy(
                table_hbm.at[idx_v.at[slot, 1, i, pl.ds(0, TAIL)]],
                rows_v.at[slot, pl.ds(i * S + 128, TAIL)],
                gat_sem,
            ).wait()

    def start_idx(g, slot):
        b0 = base + g * G
        pltpu.async_copy(x_hbm.at[0, pl.ds(b0, G)], idx_v.at[slot, 0], idx_sem)
        pltpu.async_copy(x_hbm.at[1, pl.ds(b0, G)], idx_v.at[slot, 1], idx_sem)

    def wait_idx(slot):
        for h in range(2):
            pltpu.make_async_copy(
                x_hbm.at[0, pl.ds(0, G)], idx_v.at[slot, h], idx_sem
            ).wait()

    for k in range(NBUF):
        start_idx(k, k)
    for k in range(NBUF - 1):
        wait_idx(k)
        start_gathers(k)

    def group(g, carry):
        buf = g % NBUF
        drain_gathers(buf)

        @pl.when(g + NBUF < NG)
        def _():
            gg = jnp.minimum(g + NBUF, NG - 1)
            start_idx(gg, buf)

        @pl.when(g + NBUF - 1 < NG)
        def _():
            nxt = (g + NBUF - 1) % NBUF
            wait_idx(nxt)
            start_gathers(nxt)

        for i in range(G):
            def rbody(r, accs, i=i):
                a0, a1 = accs
                for u in range(10):
                    rr = i * S + r * 10 + u
                    v = plsc.bitcast(rows_v[buf, rr, 0:32], jnp.int32)
                    a0 = a0 + plsc.bitcast(v << 16, jnp.float32)
                    a1 = a1 + plsc.bitcast(v & jnp.int32(-65536), jnp.float32)
                return a0, a1

            acc0, acc1 = lax.fori_loop(
                0, 20, rbody, (jnp.zeros((16,), jnp.float32), jnp.zeros((16,), jnp.float32))
            )
            b_loc = g * G + i
            out_v[b_loc, 0:16] = acc0
            out_v[b_loc, 16:32] = acc1
        return carry

    lax.fori_loop(0, NG, group, 0)
    pltpu.sync_copy(out_v, out_hbm.at[pl.ds(base, BPW)])


@jax.jit
def _pool(xf, table):
    mesh = plsc.VectorSubcoreMesh(core_axis_name="c", subcore_axis_name="s")
    return pl.kernel(
        _pool_body,
        out_type=jax.ShapeDtypeStruct((B, D), jnp.float32),
        mesh=mesh,
        scratch_types=[
            pltpu.VMEM((NBUF, 2, G, 128), jnp.int32),
            pltpu.VMEM((NBUF, IPG, D), jnp.bfloat16),
            pltpu.VMEM((BPW, D), jnp.float32),
            pltpu.SemaphoreType.DMA,
            pltpu.SemaphoreType.DMA,
        ],
        compiler_params=pltpu.CompilerParams(
            use_tc_tiling_on_sc=False, needs_layout_passes=False
        ),
    )(xf, table)


CH = 32
NCH = BPW // CH


def _detile_body(x_hbm, out_hbm, v, sem):
    wid = lax.axis_index("s") * NC + lax.axis_index("c")
    b0w = wid * BPW

    def step(k, carry):
        buf = k % 2
        b0 = b0w + k * CH

        @pl.when(k >= 2)
        def _():
            for h in range(2):
                pltpu.make_async_copy(
                    v.at[buf, h], out_hbm.at[h, pl.ds(b0w, CH)], sem
                ).wait()

        for h in range(2):
            pltpu.sync_copy(
                x_hbm.at[pl.ds(b0, CH), pl.ds(128 * h, 128)], v.at[buf, h]
            )
        for h in range(2):
            pltpu.async_copy(v.at[buf, h], out_hbm.at[h, pl.ds(b0, CH)], sem)
        return carry

    lax.fori_loop(0, NCH, step, 0)
    for buf in range(2):
        for h in range(2):
            pltpu.make_async_copy(
                v.at[buf, h], out_hbm.at[h, pl.ds(b0w, CH)], sem
            ).wait()


@jax.jit
def _detile(x):
    mesh = plsc.VectorSubcoreMesh(core_axis_name="c", subcore_axis_name="s")
    return pl.kernel(
        _detile_body,
        out_type=jax.ShapeDtypeStruct((2, B, 128), jnp.int32),
        mesh=mesh,
        scratch_types=[
            pltpu.VMEM((2, 2, CH, 128), jnp.int32),
            pltpu.SemaphoreType.DMA,
        ],
        compiler_params=pltpu.CompilerParams(use_tc_tiling_on_sc=True),
    )(x)


def _mlp_body(p_ref, w1_ref, b1_ref, w2_ref, b2_ref, o_ref):
    h = jnp.dot(p_ref[...], w1_ref[...], preferred_element_type=jnp.float32)
    h = jnp.maximum(h + b1_ref[...], 0.0)
    o = jnp.dot(h, w2_ref[...], preferred_element_type=jnp.float32)
    o_ref[...] = o + b2_ref[...]


@jax.jit
def _mlp(pooled, W1t, b1, W2t, b2):
    BT = 1024
    return pl.pallas_call(
        _mlp_body,
        grid=(B // BT,),
        in_specs=[
            pl.BlockSpec((BT, D), lambda i: (i, 0)),
            pl.BlockSpec((D, HID), lambda i: (0, 0)),
            pl.BlockSpec((1, HID), lambda i: (0, 0)),
            pl.BlockSpec((HID, OUT), lambda i: (0, 0)),
            pl.BlockSpec((1, OUT), lambda i: (0, 0)),
        ],
        out_specs=pl.BlockSpec((BT, OUT), lambda i: (i, 0)),
        out_shape=jax.ShapeDtypeStruct((B, OUT), jnp.float32),
    )(pooled, W1t, b1, W2t, b2)


def kernel(x, table, W1, b1, W2, b2):
    xp = jnp.pad(x.astype(jnp.int32), ((0, 0), (0, 256 - S)))
    sums = _pool(_detile(xp), table.astype(jnp.bfloat16))
    perm = jnp.concatenate([jnp.arange(0, D, 2), jnp.arange(1, D, 2)])
    W1t = W1.T[perm, :] * jnp.float32(1.0 / S)
    return _mlp(sums, W1t, b1.reshape(1, HID), W2.T, b2.reshape(1, OUT))

# --- scband reference (transcript-rebuilt; emitter-appended) ---
"""Pipeline reference for scband-alpi-embedding-mlp-31868657336810 (READ-ONLY COPY).

The authoritative reference and input builder live on the scoring server;
editing this copy changes nothing except your own understanding.
"""

import jax, jax.numpy as jnp
import numpy as np

NUM_ALARMS = 100000
EMBED_DIM = 32
HIDDEN_DIM = 128
OUTPUT_DIM = 64
BATCH = 16384
SEQ = 200


def setup_inputs(seed: int = 0) -> dict:
    key = jax.random.key(seed)
    k_idx, k_emb, k_w1, k_b1, k_w2, k_b2 = jax.random.split(key, 6)
    x = jax.random.randint(k_idx, (BATCH, SEQ), 0, NUM_ALARMS, dtype=jnp.int64 if jax.config.read('jax_enable_x64') else jnp.int32)
    table = jax.random.normal(k_emb, (NUM_ALARMS, EMBED_DIM), dtype=jnp.float32) * 0.02
    table = table.at[0].set(0.0)  # padding_idx=0
    W1 = jax.random.normal(k_w1, (HIDDEN_DIM, EMBED_DIM), dtype=jnp.float32) * (1.0 / np.sqrt(EMBED_DIM))
    b1 = jnp.zeros((HIDDEN_DIM,), dtype=jnp.float32)
    W2 = jax.random.normal(k_w2, (OUTPUT_DIM, HIDDEN_DIM), dtype=jnp.float32) * (1.0 / np.sqrt(HIDDEN_DIM))
    b2 = jnp.zeros((OUTPUT_DIM,), dtype=jnp.float32)
    return {"x": x, "table": table, "W1": W1, "b1": b1, "W2": W2, "b2": b2}


def reference(x, table, W1, b1, W2, b2):
    # embedding lookup (gather)
    embedded = jnp.take(table, x, axis=0)               # [B, S, D]
    # AdaptiveAvgPool1d(1) over sequence dim == mean over seq
    pooled = jnp.mean(embedded, axis=1)                  # [B, D]
    h = jnp.maximum(pooled @ W1.T + b1, 0.0)             # fc1 + relu
    # dropout is identity at inference
    logits = h @ W2.T + b2                               # fc2
    return logits

if __name__ == "__main__":
    import jax
    _d = setup_inputs()
    print(jax.jit(kernel)(*tuple(_d.values())))

</pallas_src>

<mosaic_0001>
#map = affine_map<(d0, d1) -> (0, 0)>
#map1 = affine_map<(d0, d1) -> (0, 0, 0)>
module attributes {stable_mosaic.version = 14 : i64} {
  func.func @_detile_body(%arg0: i32, %arg1: i32, %arg2: memref<16384x256xi32, #tpu.memory_space<hbm>>, %arg3: memref<2x16384x128xi32, #tpu.memory_space<hbm>>, %arg4: memref<2x2x32x128xi32, #tpu.memory_space<vmem>>, %arg5: memref<!tpu.dma_semaphore, #tpu.memory_space<semaphore_mem>>) attributes {dimension_semantics = [#tpu.dimension_semantics<core_parallel>, #tpu.dimension_semantics<subcore_parallel>], iteration_bounds = array<i64: 2, 16>, scalar_prefetch = 0 : i64, scratch_operands = 2 : i64, tpu.core_type = #tpu.core_type<sc_vector_subcore>, window_params = [{transform_indices = #map}, {transform_indices = #map1}]} {
    %mul3A = arith.constant 2 : i32
    %mul3A_0 = arith.muli %arg1, %mul3A : i32
    %add3A = arith.addi %mul3A_0, %arg0 : i32
    %mul3A_1 = arith.constant 512 : i32
    %mul3A_2 = arith.muli %add3A, %mul3A_1 : i32
    %scan3A = arith.constant 0 : i32
    %scan3A_3 = arith.constant 0 : i32
    %scan3A_4 = arith.constant 16 : i32
    %scan3A_5 = arith.addi %scan3A_3, %scan3A_4 : i32
    %scan3A_6 = arith.constant 1 : i32
    scf.for %scan3A_75 = %scan3A_3 to %scan3A_5 step %scan3A_6  : i32 {
      %jit3A = arith.constant 2 : i32
      %eq3A = arith.constant 0 : i32
      %eq3A_76 = arith.cmpi eq, %jit3A, %eq3A : i32
      %jit3A_77 = arith.constant 1 : i32
      %select_n3A = arith.select %eq3A_76, %jit3A_77, %jit3A : i32
      %rem3A = arith.remsi %scan3A_75, %select_n3A : i32
      %ne3A = arith.constant 0 : i32
      %ne3A_78 = arith.cmpi ne, %rem3A, %ne3A : i32
      %lt3A = arith.constant 0 : i32
      %lt3A_79 = arith.cmpi slt, %rem3A, %lt3A : i32
      %lt3A_80 = arith.constant 0 : i32
      %lt3A_81 = arith.cmpi slt, %select_n3A, %lt3A_80 : i32
      %ne3A_82 = arith.xori %lt3A_79, %lt3A_81 : i1
      %and3A = arith.andi %ne3A_82, %ne3A_78 : i1
      %add3A_83 = arith.addi %rem3A, %select_n3A : i32
      %select_n3A_84 = arith.select %and3A, %add3A_83, %rem3A : i32
      %mul3A_85 = arith.constant 32 : i32
      %mul3A_86 = arith.muli %scan3A_75, %mul3A_85 : i32
      %add3A_87 = arith.addi %mul3A_2, %mul3A_86 : i32
      %ge3A = arith.constant 2 : i32
      %ge3A_88 = arith.cmpi sge, %scan3A_75, %ge3A : i32
      %convert_element_type3A = arith.extui %ge3A_88 : i1 to i32
      %cond3A = arith.constant 0 : i32
      %cond3A_89 = arith.cmpi ne, %convert_element_type3A, %cond3A : i32
      scf.if %cond3A_89 {
        %dma_wait3A_122 = arith.constant 0 : i32
        %dma_wait3A_123 = arith.constant 0 : i32
        %dma_wait3A_124 = arith.constant 0 : i32
        %dma_wait3A_125 = arith.constant 0 : i32
        %dma_wait3A_126 = tpu.memref_slice %arg4[%select_n3A_84, %dma_wait3A_122, %dma_wait3A_124, %dma_wait3A_125] : memref<2x2x32x128xi32, #tpu.memory_space<vmem>> -> memref<1x1x32x128xi32, #tpu.memory_space<vmem>>
        %dma_wait3A_127 = tpu.memref_squeeze %dma_wait3A_126 : memref<1x1x32x128xi32, #tpu.memory_space<vmem>> -> memref<32x128xi32, #tpu.memory_space<vmem>>
        %dma_wait3A_128 = arith.constant 0 : i32
        %dma_wait3A_129 = tpu.memref_slice %arg3[%dma_wait3A_123, %mul3A_2, %dma_wait3A_128] : memref<2x16384x128xi32, #tpu.memory_space<hbm>> -> memref<1x32x128xi32, #tpu.memory_space<hbm>>
        %dma_wait3A_130 = tpu.memref_squeeze %dma_wait3A_129 : memref<1x32x128xi32, #tpu.memory_space<hbm>> -> memref<32x128xi32, #tpu.memory_space<hbm>>
        %dma_wait3A_131 = arith.constant 0 : i32
        %dma_wait3A_132 = tpu.memref_slice %arg3[%dma_wait3A_123, %mul3A_2, %dma_wait3A_131] : memref<2x16384x128xi32, #tpu.memory_space<hbm>> -> memref<1x32x128xi32, #tpu.memory_space<hbm>>
        %dma_wait3A_133 = tpu.memref_squeeze %dma_wait3A_132 : memref<1x32x128xi32, #tpu.memory_space<hbm>> -> memref<32x128xi32, #tpu.memory_space<hbm>>
        %dma_wait3A_134 = arith.constant 0 : i32
        %dma_wait3A_135 = arith.constant 0 : i32
        %dma_wait3A_136 = tpu.memref_slice %arg4[%select_n3A_84, %dma_wait3A_122, %dma_wait3A_134, %dma_wait3A_135] : memref<2x2x32x128xi32, #tpu.memory_space<vmem>> -> memref<1x1x32x128xi32, #tpu.memory_space<vmem>>
        %dma_wait3A_137 = tpu.memref_squeeze %dma_wait3A_136 : memref<1x1x32x128xi32, #tpu.memory_space<vmem>> -> memref<32x128xi32, #tpu.memory_space<vmem>>
        tpu.wait_dma2 semaphore(%arg5 : memref<!tpu.dma_semaphore, #tpu.memory_space<semaphore_mem>>) src(%dma_wait3A_137 : memref<32x128xi32, #tpu.memory_space<vmem>>) dst(%dma_wait3A_133 : memref<32x128xi32, #tpu.memory_space<hbm>>)
        %dma_wait3A_138 = arith.constant 1 : i32
        %dma_wait3A_139 = arith.constant 1 : i32
        %dma_wait3A_140 = arith.constant 0 : i32
        %dma_wait3A_141 = arith.constant 0 : i32
        %dma_wait3A_142 = tpu.memref_slice %arg4[%select_n3A_84, %dma_wait3A_138, %dma_wait3A_140, %dma_wait3A_141] : memref<2x2x32x128xi32, #tpu.memory_space<vmem>> -> memref<1x1x32x128xi32, #tpu.memory_space<vmem>>
        %dma_wait3A_143 = tpu.memref_squeeze %dma_wait3A_142 : memref<1x1x32x128xi32, #tpu.memory_space<vmem>> -> memref<32x128xi32, #tpu.memory_space<vmem>>
        %dma_wait3A_144 = arith.constant 0 : i32
        %dma_wait3A_145 = tpu.memref_slice %arg3[%dma_wait3A_139, %mul3A_2, %dma_wait3A_144] : memref<2x16384x128xi32, #tpu.memory_space<hbm>> -> memref<1x32x128xi32, #tpu.memory_space<hbm>>
        %dma_wait3A_146 = tpu.memref_squeeze %dma_wait3A_145 : memref<1x32x128xi32, #tpu.memory_space<hbm>> -> memref<32x128xi32, #tpu.memory_space<hbm>>
        %dma_wait3A_147 = arith.constant 0 : i32
        %dma_wait3A_148 = tpu.memref_slice %arg3[%dma_wait3A_139, %mul3A_2, %dma_wait3A_147] : memref<2x16384x128xi32, #tpu.memory_space<hbm>> -> memref<1x32x128xi32, #tpu.memory_space<hbm>>
        %dma_wait3A_149 = tpu.memref_squeeze %dma_wait3A_148 : memref<1x32x128xi32, #tpu.memory_space<hbm>> -> memref<32x128xi32, #tpu.memory_space<hbm>>
        %dma_wait3A_150 = arith.constant 0 : i32
        %dma_wait3A_151 = arith.constant 0 : i32
        %dma_wait3A_152 = tpu.memref_slice %arg4[%select_n3A_84, %dma_wait3A_138, %dma_wait3A_150, %dma_wait3A_151] : memref<2x2x32x128xi32, #tpu.memory_space<vmem>> -> memref<1x1x32x128xi32, #tpu.memory_space<vmem>>
        %dma_wait3A_153 = tpu.memref_squeeze %dma_wait3A_152 : memref<1x1x32x128xi32, #tpu.memory_space<vmem>> -> memref<32x128xi32, #tpu.memory_space<vmem>>
        tpu.wait_dma2 semaphore(%arg5 : memref<!tpu.dma_semaphore, #tpu.memory_space<semaphore_mem>>) src(%dma_wait3A_153 : memref<32x128xi32, #tpu.memory_space<vmem>>) dst(%dma_wait3A_149 : memref<32x128xi32, #tpu.memory_space<hbm>>)
      } else {
      }
      %run_scoped3A = arith.constant 0 : i32
      "tpu.region"() ({
        %run_scoped3A_122 = tpu.sem_alloc : memref<!tpu.dma_semaphore, #tpu.memory_space<semaphore_mem>>
        %dma_start3A_123 = arith.constant 0 : i32
        %dma_start3A_124 = arith.constant 0 : i32
        %dma_start3A_125 = tpu.memref_slice %arg4[%select_n3A_84, %run_scoped3A, %dma_start3A_123, %dma_start3A_124] : memref<2x2x32x128xi32, #tpu.memory_space<vmem>> -> memref<1x1x32x128xi32, #tpu.memory_space<vmem>>
        %dma_start3A_126 = tpu.memref_squeeze %dma_start3A_125 : memref<1x1x32x128xi32, #tpu.memory_space<vmem>> -> memref<32x128xi32, #tpu.memory_space<vmem>>
        %dma_start3A_127 = arith.constant 0 : i32
        %dma_start3A_128 = tpu.memref_slice %arg2[%add3A_87, %dma_start3A_127] : memref<16384x256xi32, #tpu.memory_space<hbm>> -> memref<32x128xi32, #tpu.memory_space<hbm>>
        %dma_start3A_129 = arith.constant 0 : i32
        %dma_start3A_130 = arith.constant 0 : i32
        %dma_start3A_131 = tpu.memref_slice %arg4[%select_n3A_84, %run_scoped3A, %dma_start3A_129, %dma_start3A_130] : memref<2x2x32x128xi32, #tpu.memory_space<vmem>> -> memref<1x1x32x128xi32, #tpu.memory_space<vmem>>
        %dma_start3A_132 = tpu.memref_squeeze %dma_start3A_131 : memref<1x1x32x128xi32, #tpu.memory_space<vmem>> -> memref<32x128xi32, #tpu.memory_space<vmem>>
        %dma_start3A_133 = arith.constant 0 : i32
        %dma_start3A_134 = tpu.memref_slice %arg2[%add3A_87, %dma_start3A_133] : memref<16384x256xi32, #tpu.memory_space<hbm>> -> memref<32x128xi32, #tpu.memory_space<hbm>>
        tpu.enqueue_dma source(%dma_start3A_134 : memref<32x128xi32, #tpu.memory_space<hbm>>) target(%dma_start3A_132 : memref<32x128xi32, #tpu.memory_space<vmem>>) target_semaphore(%run_scoped3A_122 : memref<!tpu.dma_semaphore, #tpu.memory_space<semaphore_mem>>)
        %dma_wait3A_135 = arith.constant 0 : i32
        %dma_wait3A_136 = arith.constant 0 : i32
        %dma_wait3A_137 = tpu.memref_slice %arg4[%select_n3A_84, %run_scoped3A, %dma_wait3A_135, %dma_wait3A_136] : memref<2x2x32x128xi32, #tpu.memory_space<vmem>> -> memref<1x1x32x128xi32, #tpu.memory_space<vmem>>
        %dma_wait3A_138 = tpu.memref_squeeze %dma_wait3A_137 : memref<1x1x32x128xi32, #tpu.memory_space<vmem>> -> memref<32x128xi32, #tpu.memory_space<vmem>>
        %dma_wait3A_139 = arith.constant 0 : i32
        %dma_wait3A_140 = tpu.memref_slice %arg2[%add3A_87, %dma_wait3A_139] : memref<16384x256xi32, #tpu.memory_space<hbm>> -> memref<32x128xi32, #tpu.memory_space<hbm>>
        %dma_wait3A_141 = arith.constant 0 : i32
        %dma_wait3A_142 = arith.constant 0 : i32
        %dma_wait3A_143 = tpu.memref_slice %arg4[%select_n3A_84, %run_scoped3A, %dma_wait3A_141, %dma_wait3A_142] : memref<2x2x32x128xi32, #tpu.memory_space<vmem>> -> memref<1x1x32x128xi32, #tpu.memory_space<vmem>>
        %dma_wait3A_144 = tpu.memref_squeeze %dma_wait3A_143 : memref<1x1x32x128xi32, #tpu.memory_space<vmem>> -> memref<32x128xi32, #tpu.memory_space<vmem>>
        %dma_wait3A_145 = arith.constant 0 : i32
        %dma_wait3A_146 = tpu.memref_slice %arg2[%add3A_87, %dma_wait3A_145] : memref<16384x256xi32, #tpu.memory_space<hbm>> -> memref<32x128xi32, #tpu.memory_space<hbm>>
        tpu.wait_dma2 semaphore(%run_scoped3A_122 : memref<!tpu.dma_semaphore, #tpu.memory_space<semaphore_mem>>) src(%dma_wait3A_146 : memref<32x128xi32, #tpu.memory_space<hbm>>) dst(%dma_wait3A_144 : memref<32x128xi32, #tpu.memory_space<vmem>>)
        tpu.yield
      }) : () -> ()
      %run_scoped3A_90 = arith.constant 1 : i32
      "tpu.region"() ({
        %run_scoped3A_122 = tpu.sem_alloc : memref<!tpu.dma_semaphore, #tpu.memory_space<semaphore_mem>>
        %dma_start3A_123 = arith.constant 0 : i32
        %dma_start3A_124 = arith.constant 0 : i32
        %dma_start3A_125 = tpu.memref_slice %arg4[%select_n3A_84, %run_scoped3A_90, %dma_start3A_123, %dma_start3A_124] : memref<2x2x32x128xi32, #tpu.memory_space<vmem>> -> memref<1x1x32x128xi32, #tpu.memory_space<vmem>>
        %dma_start3A_126 = tpu.memref_squeeze %dma_start3A_125 : memref<1x1x32x128xi32, #tpu.memory_space<vmem>> -> memref<32x128xi32, #tpu.memory_space<vmem>>
        %dma_start3A_127 = arith.constant 128 : i32
        %dma_start3A_128 = tpu.memref_slice %arg2[%add3A_87, %dma_start3A_127] : memref<16384x256xi32, #tpu.memory_space<hbm>> -> memref<32x128xi32, #tpu.memory_space<hbm>>
        %dma_start3A_129 = arith.constant 0 : i32
        %dma_start3A_130 = arith.constant 0 : i32
        %dma_start3A_131 = tpu.memref_slice %arg4[%select_n3A_84, %run_scoped3A_90, %dma_start3A_129, %dma_start3A_130] : memref<2x2x32x128xi32, #tpu.memory_space<vmem>> -> memref<1x1x32x128xi32, #tpu.memory_space<vmem>>
        %dma_start3A_132 = tpu.memref_squeeze %dma_start3A_131 : memref<1x1x32x128xi32, #tpu.memory_space<vmem>> -> memref<32x128xi32, #tpu.memory_space<vmem>>
        %dma_start3A_133 = arith.constant 128 : i32
        %dma_start3A_134 = tpu.memref_slice %arg2[%add3A_87, %dma_start3A_133] : memref<16384x256xi32, #tpu.memory_space<hbm>> -> memref<32x128xi32, #tpu.memory_space<hbm>>
        tpu.enqueue_dma source(%dma_start3A_134 : memref<32x128xi32, #tpu.memory_space<hbm>>) target(%dma_start3A_132 : memref<32x128xi32, #tpu.memory_space<vmem>>) target_semaphore(%run_scoped3A_122 : memref<!tpu.dma_semaphore, #tpu.memory_space<semaphore_mem>>)
        %dma_wait3A_135 = arith.constant 0 : i32
        %dma_wait3A_136 = arith.constant 0 : i32
        %dma_wait3A_137 = tpu.memref_slice %arg4[%select_n3A_84, %run_scoped3A_90, %dma_wait3A_135, %dma_wait3A_136] : memref<2x2x32x128xi32, #tpu.memory_space<vmem>> -> memref<1x1x32x128xi32, #tpu.memory_space<vmem>>
        %dma_wait3A_138 = tpu.memref_squeeze %dma_wait3A_137 : memref<1x1x32x128xi32, #tpu.memory_space<vmem>> -> memref<32x128xi32, #tpu.memory_space<vmem>>
        %dma_wait3A_139 = arith.constant 128 : i32
        %dma_wait3A_140 = tpu.memref_slice %arg2[%add3A_87, %dma_wait3A_139] : memref<16384x256xi32, #tpu.memory_space<hbm>> -> memref<32x128xi32, #tpu.memory_space<hbm>>
        %dma_wait3A_141 = arith.constant 0 : i32
        %dma_wait3A_142 = arith.constant 0 : i32
        %dma_wait3A_143 = tpu.memref_slice %arg4[%select_n3A_84, %run_scoped3A_90, %dma_wait3A_141, %dma_wait3A_142] : memref<2x2x32x128xi32, #tpu.memory_space<vmem>> -> memref<1x1x32x128xi32, #tpu.memory_space<vmem>>
        %dma_wait3A_144 = tpu.memref_squeeze %dma_wait3A_143 : memref<1x1x32x128xi32, #tpu.memory_space<vmem>> -> memref<32x128xi32, #tpu.memory_space<vmem>>
        %dma_wait3A_145 = arith.constant 128 : i32
        %dma_wait3A_146 = tpu.memref_slice %arg2[%add3A_87, %dma_wait3A_145] : memref<16384x256xi32, #tpu.memory_space<hbm>> -> memref<32x128xi32, #tpu.memory_space<hbm>>
        tpu.wait_dma2 semaphore(%run_scoped3A_122 : memref<!tpu.dma_semaphore, #tpu.memory_space<semaphore_mem>>) src(%dma_wait3A_146 : memref<32x128xi32, #tpu.memory_space<hbm>>) dst(%dma_wait3A_144 : memref<32x128xi32, #tpu.memory_space<vmem>>)
        tpu.yield
      }) : () -> ()
      %dma_start3A = arith.constant 0 : i32
      %dma_start3A_91 = arith.constant 0 : i32
      %dma_start3A_92 = arith.constant 0 : i32
      %dma_start3A_93 = arith.constant 0 : i32
      %dma_start3A_94 = tpu.memref_slice %arg4[%select_n3A_84, %dma_start3A, %dma_start3A_92, %dma_start3A_93] : memref<2x2x32x128xi32, #tpu.memory_space<vmem>> -> memref<1x1x32x128xi32, #tpu.memory_space<vmem>>
      %dma_start3A_95 = tpu.memref_squeeze %dma_start3A_94 : memref<1x1x32x128xi32, #tpu.memory_space<vmem>> -> memref<32x128xi32, #tpu.memory_space<vmem>>
      %dma_start3A_96 = arith.constant 0 : i32
      %dma_start3A_97 = tpu.memref_slice %arg3[%dma_start3A_91, %add3A_87, %dma_start3A_96] : memref<2x16384x128xi32, #tpu.memory_space<hbm>> -> memref<1x32x128xi32, #tpu.memory_space<hbm>>
      %dma_start3A_98 = tpu.memref_squeeze %dma_start3A_97 : memref<1x32x128xi32, #tpu.memory_space<hbm>> -> memref<32x128xi32, #tpu.memory_space<hbm>>
      %dma_start3A_99 = arith.constant 0 : i32
      %dma_start3A_100 = tpu.memref_slice %arg3[%dma_start3A_91, %add3A_87, %dma_start3A_99] : memref<2x16384x128xi32, #tpu.memory_space<hbm>> -> memref<1x32x128xi32, #tpu.memory_space<hbm>>
      %dma_start3A_101 = tpu.memref_squeeze %dma_start3A_100 : memref<1x32x128xi32, #tpu.memory_space<hbm>> -> memref<32x128xi32, #tpu.memory_space<hbm>>
      %dma_start3A_102 = arith.constant 0 : i32
      %dma_start3A_103 = arith.constant 0 : i32
      %dma_start3A_104 = tpu.memref_slice %arg4[%select_n3A_84, %dma_start3A, %dma_start3A_102, %dma_start3A_103] : memref<2x2x32x128xi32, #tpu.memory_space<vmem>> -> memref<1x1x32x128xi32, #tpu.memory_space<vmem>>
      %dma_start3A_105 = tpu.memref_squeeze %dma_start3A_104 : memref<1x1x32x128xi32, #tpu.memory_space<vmem>> -> memref<32x128xi32, #tpu.memory_space<vmem>>
      tpu.enqueue_dma source(%dma_start3A_105 : memref<32x128xi32, #tpu.memory_space<vmem>>) target(%dma_start3A_101 : memref<32x128xi32, #tpu.memory_space<hbm>>) target_semaphore(%arg5 : memref<!tpu.dma_semaphore, #tpu.memory_space<semaphore_mem>>)
      %dma_start3A_106 = arith.constant 1 : i32
      %dma_start3A_107 = arith.constant 1 : i32
      %dma_start3A_108 = arith.constant 0 : i32
      %dma_start3A_109 = arith.constant 0 : i32
      %dma_start3A_110 = tpu.memref_slice %arg4[%select_n3A_84, %dma_start3A_106, %dma_start3A_108, %dma_start3A_109] : memref<2x2x32x128xi32, #tpu.memory_space<vmem>> -> memref<1x1x32x128xi32, #tpu.memory_space<vmem>>
      %dma_start3A_111 = tpu.memref_squeeze %dma_start3A_110 : memref<1x1x32x128xi32, #tpu.memory_space<vmem>> -> memref<32x128xi32, #tpu.memory_space<vmem>>
      %dma_start3A_112 = arith.constant 0 : i32
      %dma_start3A_113 = tpu.memref_slice %arg3[%dma_start3A_107, %add3A_87, %dma_start3A_112] : memref<2x16384x128xi32, #tpu.memory_space<hbm>> -> memref<1x32x128xi32, #tpu.memory_space<hbm>>
      %dma_start3A_114 = tpu.memref_squeeze %dma_start3A_113 : memref<1x32x128xi32, #tpu.memory_space<hbm>> -> memref<32x128xi32, #tpu.memory_space<hbm>>
      %dma_start3A_115 = arith.constant 0 : i32
      %dma_start3A_116 = tpu.memref_slice %arg3[%dma_start3A_107, %add3A_87, %dma_start3A_115] : memref<2x16384x128xi32, #tpu.memory_space<hbm>> -> memref<1x32x128xi32, #tpu.memory_space<hbm>>
      %dma_start3A_117 = tpu.memref_squeeze %dma_start3A_116 : memref<1x32x128xi32, #tpu.memory_space<hbm>> -> memref<32x128xi32, #tpu.memory_space<hbm>>
      %dma_start3A_118 = arith.constant 0 : i32
      %dma_start3A_119 = arith.constant 0 : i32
      %dma_start3A_120 = tpu.memref_slice %arg4[%select_n3A_84, %dma_start3A_106, %dma_start3A_118, %dma_start3A_119] : memref<2x2x32x128xi32, #tpu.memory_space<vmem>> -> memref<1x1x32x128xi32, #tpu.memory_space<vmem>>
      %dma_start3A_121 = tpu.memref_squeeze %dma_start3A_120 : memref<1x1x32x128xi32, #tpu.memory_space<vmem>> -> memref<32x128xi32, #tpu.memory_space<vmem>>
      tpu.enqueue_dma source(%dma_start3A_121 : memref<32x128xi32, #tpu.memory_space<vmem>>) target(%dma_start3A_117 : memref<32x128xi32, #tpu.memory_space<hbm>>) target_semaphore(%arg5 : memref<!tpu.dma_semaphore, #tpu.memory_space<semaphore_mem>>)
    }
    %scan3A_7 = arith.constant 16 : i32
    %dma_wait3A = arith.constant 0 : i32
    %dma_wait3A_8 = arith.constant 0 : i32
    %dma_wait3A_9 = arith.constant 0 : i32
    %dma_wait3A_10 = arith.constant 0 : i32
    %dma_wait3A_11 = arith.constant 0 : i32
    %dma_wait3A_12 = tpu.memref_slice %arg4[%dma_wait3A, %dma_wait3A_8, %dma_wait3A_10, %dma_wait3A_11] : memref<2x2x32x128xi32, #tpu.memory_space<vmem>> -> memref<1x1x32x128xi32, #tpu.memory_space<vmem>>
    %dma_wait3A_13 = tpu.memref_squeeze %dma_wait3A_12 : memref<1x1x32x128xi32, #tpu.memory_space<vmem>> -> memref<32x128xi32, #tpu.memory_space<vmem>>
    %dma_wait3A_14 = arith.constant 0 : i32
    %dma_wait3A_15 = tpu.memref_slice %arg3[%dma_wait3A_9, %mul3A_2, %dma_wait3A_14] : memref<2x16384x128xi32, #tpu.memory_space<hbm>> -> memref<1x32x128xi32, #tpu.memory_space<hbm>>
    %dma_wait3A_16 = tpu.memref_squeeze %dma_wait3A_15 : memref<1x32x128xi32, #tpu.memory_space<hbm>> -> memref<32x128xi32, #tpu.memory_space<hbm>>
    %dma_wait3A_17 = arith.constant 0 : i32
    %dma_wait3A_18 = tpu.memref_slice %arg3[%dma_wait3A_9, %mul3A_2, %dma_wait3A_17] : memref<2x16384x128xi32, #tpu.memory_space<hbm>> -> memref<1x32x128xi32, #tpu.memory_space<hbm>>
    %dma_wait3A_19 = tpu.memref_squeeze %dma_wait3A_18 : memref<1x32x128xi32, #tpu.memory_space<hbm>> -> memref<32x128xi32, #tpu.memory_space<hbm>>
    %dma_wait3A_20 = arith.constant 0 : i32
    %dma_wait3A_21 = arith.constant 0 : i32
    %dma_wait3A_22 = tpu.memref_slice %arg4[%dma_wait3A, %dma_wait3A_8, %dma_wait3A_20, %dma_wait3A_21] : memref<2x2x32x128xi32, #tpu.memory_space<vmem>> -> memref<1x1x32x128xi32, #tpu.memory_space<vmem>>
    %dma_wait3A_23 = tpu.memref_squeeze %dma_wait3A_22 : memref<1x1x32x128xi32, #tpu.memory_space<vmem>> -> memref<32x128xi32, #tpu.memory_space<vmem>>
    tpu.wait_dma2 semaphore(%arg5 : memref<!tpu.dma_semaphore, #tpu.memory_space<semaphore_mem>>) src(%dma_wait3A_23 : memref<32x128xi32, #tpu.memory_space<vmem>>) dst(%dma_wait3A_19 : memref<32x128xi32, #tpu.memory_space<hbm>>)
    %dma_wait3A_24 = arith.constant 0 : i32
    %dma_wait3A_25 = arith.constant 1 : i32
    %dma_wait3A_26 = arith.constant 1 : i32
    %dma_wait3A_27 = arith.constant 0 : i32
    %dma_wait3A_28 = arith.constant 0 : i32
    %dma_wait3A_29 = tpu.memref_slice %arg4[%dma_wait3A_24, %dma_wait3A_25, %dma_wait3A_27, %dma_wait3A_28] : memref<2x2x32x128xi32, #tpu.memory_space<vmem>> -> memref<1x1x32x128xi32, #tpu.memory_space<vmem>>
    %dma_wait3A_30 = tpu.memref_squeeze %dma_wait3A_29 : memref<1x1x32x128xi32, #tpu.memory_space<vmem>> -> memref<32x128xi32, #tpu.memory_space<vmem>>
    %dma_wait3A_31 = arith.constant 0 : i32
    %dma_wait3A_32 = tpu.memref_slice %arg3[%dma_wait3A_26, %mul3A_2, %dma_wait3A_31] : memref<2x16384x128xi32, #tpu.memory_space<hbm>> -> memref<1x32x128xi32, #tpu.memory_space<hbm>>
    %dma_wait3A_33 = tpu.memref_squeeze %dma_wait3A_32 : memref<1x32x128xi32, #tpu.memory_space<hbm>> -> memref<32x128xi32, #tpu.memory_space<hbm>>
    %dma_wait3A_34 = arith.constant 0 : i32
    %dma_wait3A_35 = tpu.memref_slice %arg3[%dma_wait3A_26, %mul3A_2, %dma_wait3A_34] : memref<2x16384x128xi32, #tpu.memory_space<hbm>> -> memref<1x32x128xi32, #tpu.memory_space<hbm>>
    %dma_wait3A_36 = tpu.memref_squeeze %dma_wait3A_35 : memref<1x32x128xi32, #tpu.memory_space<hbm>> -> memref<32x128xi32, #tpu.memory_space<hbm>>
    %dma_wait3A_37 = arith.constant 0 : i32
    %dma_wait3A_38 = arith.constant 0 : i32
    %dma_wait3A_39 = tpu.memref_slice %arg4[%dma_wait3A_24, %dma_wait3A_25, %dma_wait3A_37, %dma_wait3A_38] : memref<2x2x32x128xi32, #tpu.memory_space<vmem>> -> memref<1x1x32x128xi32, #tpu.memory_space<vmem>>
    %dma_wait3A_40 = tpu.memref_squeeze %dma_wait3A_39 : memref<1x1x32x128xi32, #tpu.memory_space<vmem>> -> memref<32x128xi32, #tpu.memory_space<vmem>>
    tpu.wait_dma2 semaphore(%arg5 : memref<!tpu.dma_semaphore, #tpu.memory_space<semaphore_mem>>) src(%dma_wait3A_40 : memref<32x128xi32, #tpu.memory_space<vmem>>) dst(%dma_wait3A_36 : memref<32x128xi32, #tpu.memory_space<hbm>>)
    %dma_wait3A_41 = arith.constant 1 : i32
    %dma_wait3A_42 = arith.constant 0 : i32
    %dma_wait3A_43 = arith.constant 0 : i32
    %dma_wait3A_44 = arith.constant 0 : i32
    %dma_wait3A_45 = arith.constant 0 : i32
    %dma_wait3A_46 = tpu.memref_slice %arg4[%dma_wait3A_41, %dma_wait3A_42, %dma_wait3A_44, %dma_wait3A_45] : memref<2x2x32x128xi32, #tpu.memory_space<vmem>> -> memref<1x1x32x128xi32, #tpu.memory_space<vmem>>
    %dma_wait3A_47 = tpu.memref_squeeze %dma_wait3A_46 : memref<1x1x32x128xi32, #tpu.memory_space<vmem>> -> memref<32x128xi32, #tpu.memory_space<vmem>>
    %dma_wait3A_48 = arith.constant 0 : i32
    %dma_wait3A_49 = tpu.memref_slice %arg3[%dma_wait3A_43, %mul3A_2, %dma_wait3A_48] : memref<2x16384x128xi32, #tpu.memory_space<hbm>> -> memref<1x32x128xi32, #tpu.memory_space<hbm>>
    %dma_wait3A_50 = tpu.memref_squeeze %dma_wait3A_49 : memref<1x32x128xi32, #tpu.memory_space<hbm>> -> memref<32x128xi32, #tpu.memory_space<hbm>>
    %dma_wait3A_51 = arith.constant 0 : i32
    %dma_wait3A_52 = tpu.memref_slice %arg3[%dma_wait3A_43, %mul3A_2, %dma_wait3A_51] : memref<2x16384x128xi32, #tpu.memory_space<hbm>> -> memref<1x32x128xi32, #tpu.memory_space<hbm>>
    %dma_wait3A_53 = tpu.memref_squeeze %dma_wait3A_52 : memref<1x32x128xi32, #tpu.memory_space<hbm>> -> memref<32x128xi32, #tpu.memory_space<hbm>>
    %dma_wait3A_54 = arith.constant 0 : i32
    %dma_wait3A_55 = arith.constant 0 : i32
    %dma_wait3A_56 = tpu.memref_slice %arg4[%dma_wait3A_41, %dma_wait3A_42, %dma_wait3A_54, %dma_wait3A_55] : memref<2x2x32x128xi32, #tpu.memory_space<vmem>> -> memref<1x1x32x128xi32, #tpu.memory_space<vmem>>
    %dma_wait3A_57 = tpu.memref_squeeze %dma_wait3A_56 : memref<1x1x32x128xi32, #tpu.memory_space<vmem>> -> memref<32x128xi32, #tpu.memory_space<vmem>>
    tpu.wait_dma2 semaphore(%arg5 : memref<!tpu.dma_semaphore, #tpu.memory_space<semaphore_mem>>) src(%dma_wait3A_57 : memref<32x128xi32, #tpu.memory_space<vmem>>) dst(%dma_wait3A_53 : memref<32x128xi32, #tpu.memory_space<hbm>>)
    %dma_wait3A_58 = arith.constant 1 : i32
    %dma_wait3A_59 = arith.constant 1 : i32
    %dma_wait3A_60 = arith.constant 1 : i32
    %dma_wait3A_61 = arith.constant 0 : i32
    %dma_wait3A_62 = arith.constant 0 : i32
    %dma_wait3A_63 = tpu.memref_slice %arg4[%dma_wait3A_58, %dma_wait3A_59, %dma_wait3A_61, %dma_wait3A_62] : memref<2x2x32x128xi32, #tpu.memory_space<vmem>> -> memref<1x1x32x128xi32, #tpu.memory_space<vmem>>
    %dma_wait3A_64 = tpu.memref_squeeze %dma_wait3A_63 : memref<1x1x32x128xi32, #tpu.memory_space<vmem>> -> memref<32x128xi32, #tpu.memory_space<vmem>>
    %dma_wait3A_65 = arith.constant 0 : i32
    %dma_wait3A_66 = tpu.memref_slice %arg3[%dma_wait3A_60, %mul3A_2, %dma_wait3A_65] : memref<2x16384x128xi32, #tpu.memory_space<hbm>> -> memref<1x32x128xi32, #tpu.memory_space<hbm>>
    %dma_wait3A_67 = tpu.memref_squeeze %dma_wait3A_66 : memref<1x32x128xi32, #tpu.memory_space<hbm>> -> memref<32x128xi32, #tpu.memory_space<hbm>>
    %dma_wait3A_68 = arith.constant 0 : i32
    %dma_wait3A_69 = tpu.memref_slice %arg3[%dma_wait3A_60, %mul3A_2, %dma_wait3A_68] : memref<2x16384x128xi32, #tpu.memory_space<hbm>> -> memref<1x32x128xi32, #tpu.memory_space<hbm>>
    %dma_wait3A_70 = tpu.memref_squeeze %dma_wait3A_69 : memref<1x32x128xi32, #tpu.memory_space<hbm>> -> memref<32x128xi32, #tpu.memory_space<hbm>>
    %dma_wait3A_71 = arith.constant 0 : i32
    %dma_wait3A_72 = arith.constant 0 : i32
    %dma_wait3A_73 = tpu.memref_slice %arg4[%dma_wait3A_58, %dma_wait3A_59, %dma_wait3A_71, %dma_wait3A_72] : memref<2x2x32x128xi32, #tpu.memory_space<vmem>> -> memref<1x1x32x128xi32, #tpu.memory_space<vmem>>
    %dma_wait3A_74 = tpu.memref_squeeze %dma_wait3A_73 : memref<1x1x32x128xi32, #tpu.memory_space<vmem>> -> memref<32x128xi32, #tpu.memory_space<vmem>>
    tpu.wait_dma2 semaphore(%arg5 : memref<!tpu.dma_semaphore, #tpu.memory_space<semaphore_mem>>) src(%dma_wait3A_74 : memref<32x128xi32, #tpu.memory_space<vmem>>) dst(%dma_wait3A_70 : memref<32x128xi32, #tpu.memory_space<hbm>>)
    return
  }
}

</mosaic_0001>

<sc_bundles>
// kernel: _detile.3.cloned.1.call-start
scs
__scs_entry_jumppad:
0x0: {  	(pc) =	sbr.rel $0x88, $3  }
0x1: {  	(tag) =	ssettag $0x0;
	lr =	simm.s32 $0x1  }
0x2: {  	[smem:$0x3FA0] =	sst lr;
	_ =	strace $0xD0000000  }
0x3: {  	_ = 	snop  }
0x4: {  	_ = 	snop  }
0x5: {  	_ = 	snop  }
0x6: {  	_ = 	snop  }
0x7: {  	_ = 	snop  }
__scs_overlays_trampoline_lowered:
0x8: {  	[smem:$0x3FAF] =	sst s0  }
0x9: {  	[smem:$0x3FB0] =	sst s1  }
0xa: {  	[smem:$0x3FB1] =	sst s2  }
0xb: {  	[smem:$0x3FB2] =	sst s3  }
0xc: {  	[smem:$0x3FB3] =	sst s4  }
0xd: {  	[smem:$0x3FB4] =	sst s5  }
0xe: {  	[smem:$0x3FB5] =	sst s6  }
0xf: {  	[smem:$0x3FB6] =	sst s7  }
0x10: {  	[smem:$0x3FB7] =	sst s8  }
0x11: {  	[smem:$0x3FB8] =	sst s9;
	s0 =	simm.s32 @!p0 $0x0  }
0x12: {  	s1 =	sld [smem:$0x3F9E];
	s0 =	simm.s32 @p0 $0x1  }
0x13: {  	[smem:$0x3FB9] =	sst s0;
	s0 =	simm.s32 @!p1 $0x0  }
0x14: {  	s2 =	sld [smem:$0x3F9D];
	s0 =	simm.s32 @p1 $0x1  }
0x15: {  	[smem:$0x3FBA] =	sst s0;
	s0 =	simm.s32 @!p2 $0x0  }
0x16: {  	s3 =	sld [smem:$0x3FDB];
	s0 =	simm.s32 @p2 $0x1  }
0x17: {  	s4 =	simm.s32 $0x1BF5;
	[smem:$0x3FBC] =	sst s0  }
0x18: {  	s0 =	sld [smem:$0x3F9F];
	_ =	swait.ge [sflag:s4], $0x0  }
0x19: {  	s7 =	sld [smem:$0x3FA0]  }
0x1a: {  	s8 =	sadd.s32 $0xFFFFE003, lr  }
0x1b: {  	s9 =	sadd.s32 $0xFFFFFEF7, lr;
	s5 =	simm.s32 $0xFFFFFFFF;
	p2 =	slt.u32 s8, $0xFFFFF086  }
0x1c: {  	p1 =	slt.u32 s9, $0xF7A;
	s5 =	simm.s32 @!p2 $0x0  }
0x1d: {  	s5 =	simm.s32 @p1 $0x1;
	p0 =	seq.s32 s7, s2  }
0x1e: {  	s7 =	smul.u32 @!p0 $0xF7A, s2;
	p2 =	seq.s32 @!p0 s5, $0x0  }
0x1f: {  	s9 =	smul.u32 $0xF7A, s1;
	s8 =	simm.s32 @!p0 $0x1BF5;
	p2 =	por !p2, p0  }
0x20: {  	[sflag:s8] =	ssyncset.s32 @!p0 $0xFFFFF086;
	s6 =	sadd.s32 @!p0 s3, s7;
	s7 =	simm.s32 @!p0 $0x108  }
0x21: {  	s3 =	sadd.s32 s3, s9;
	s6 =	sadd.s32 @!p0 $0x88, s6;
	s7 =	simm.s32 @p2 $0x1082  }
0x22: {  	[simem:s7], [sflag:s8] =	dma.local @!p0 [hbm:s6], $0xF7A  }
0x23: {  	s9 =	sor.u32 $0xD0000000, s2;
	s6 =	simm.s32 $0x108;
	_ =	swait.ge @!p0 [sflag:s8], $0x0  }
0x24: {  	s3 =	sadd.s32 $0x88, s3;
	s6 =	simm.s32 @!p1 $0x1082;
	[sflag:s4] =	ssyncset.s32 $0xFFFFF086  }
0x25: {  	[simem:s6], [sflag:s4] =	dma.local [hbm:s3], $0xF7A  }
0x26: {  	[smem:$0x3FA0] =	sst s1;
	(tag) =	ssettag s2;
	_ =	strace s9  }
0x27: {  	s1 =	sld [smem:$0x3FB0]  }
0x28: {  	s2 =	sld [smem:$0x3FB1]  }
0x29: {  	s4 =	sld [smem:$0x3FB3]  }
0x2a: {  	p0 =	seq.s32 s5, $0x0;
	s5 =	sld [smem:$0x3FB4]  }
0x2b: {  	s6 =	sld [smem:$0x3FB5]  }
0x2c: {  	s7 =	sld [smem:$0x3FB6]  }
0x2d: {  	s3 =	simm.s32 $0x108;
	s8 =	sld [smem:$0x3FB7]  }
0x2e: {  	s3 =	simm.s32 @!p0 $0x1082;
	s9 =	sld [smem:$0x3FB8]  }
0x2f: {  	lr =	sadd.s32 s0, s3;
	s0 =	sld [smem:$0x3FAF]  }
0x30: {  	s3 =	sld [smem:$0x3FB2]  }
0x31: {  	[smem:$0x3FBB] =	sst s10  }
0x32: {  	s10 =	sld [smem:$0x3FB9];
	_ =	sdelay $0x3  }
0x33: {  	p0 =	seq.s32 s10, $0x1;
	s10 =	sld [smem:$0x3FBB];
	_ =	sdelay $0x3  }
0x34: {  	[smem:$0x3FBB] =	sst s10  }
0x35: {  	s10 =	sld [smem:$0x3FBA];
	_ =	sdelay $0x3  }
0x36: {  	p1 =	seq.s32 s10, $0x1;
	s10 =	sld [smem:$0x3FBB];
	_ =	sdelay $0x3  }
0x37: {  	[smem:$0x3FBB] =	sst s10  }
0x38: {  	s10 =	sld [smem:$0x3FBC]  }
0x39: {  	_ = 	snop;
	(pc) =	sbr.ind lr, $3  }
0x3a: {  	_ = 	snop  }
0x3b: {  	_ = 	snop  }
0x3c: {  	p2 =	seq.s32 s10, $0x1;
	s10 =	sld [smem:$0x3FBB]  }
0x3d: {  	_ =	shalt  }
0x3e: {  	_ =	shalt  }
0x3f: {  	_ =	shalt  }
0x40: {  	_ =	shalt  }
0x41: {  	_ =	shalt  }
0x42: {  	_ =	shalt  }
0x43: {  	_ =	shalt  }
0x44: {  	_ =	shalt  }
0x45: {  	_ =	shalt  }
0x46: {  	_ =	shalt  }
0x47: {  	_ =	shalt  }
0x48: {  	_ =	shalt  }
0x49: {  	_ =	shalt  }
0x4a: {  	_ =	shalt  }
0x4b: {  	_ =	shalt  }
0x4c: {  	_ =	shalt  }
0x4d: {  	_ =	shalt  }
0x4e: {  	_ =	shalt  }
0x4f: {  	_ =	shalt  }
0x50: {  	_ =	shalt  }
0x51: {  	_ =	shalt  }
0x52: {  	_ =	shalt  }
0x53: {  	_ =	shalt  }
0x54: {  	_ =	shalt  }
0x55: {  	_ =	shalt  }
0x56: {  	_ =	shalt  }
0x57: {  	_ =	shalt  }
0x58: {  	_ =	shalt  }
0x59: {  	_ =	shalt  }
0x5a: {  	_ =	shalt  }
0x5b: {  	_ =	shalt  }
0x5c: {  	_ =	shalt  }
0x5d: {  	_ =	shalt  }
0x5e: {  	_ =	shalt  }
0x5f: {  	_ =	shalt  }
0x60: {  	_ =	shalt  }
0x61: {  	_ =	shalt  }
0x62: {  	_ =	shalt  }
0x63: {  	_ =	shalt  }
0x64: {  	_ =	shalt  }
0x65: {  	_ =	shalt  }
0x66: {  	_ =	shalt  }
0x67: {  	_ =	shalt  }
0x68: {  	_ =	shalt  }
0x69: {  	_ =	shalt  }
0x6a: {  	_ =	shalt  }
0x6b: {  	_ =	shalt  }
0x6c: {  	_ =	shalt  }
0x6d: {  	_ =	shalt  }
0x6e: {  	_ =	shalt  }
0x6f: {  	_ =	shalt  }
0x70: {  	_ =	shalt  }
0x71: {  	_ =	shalt  }
0x72: {  	_ =	shalt  }
0x73: {  	_ =	shalt  }
0x74: {  	_ =	shalt  }
0x75: {  	_ =	shalt  }
0x76: {  	_ =	shalt  }
0x77: {  	_ =	shalt  }
0x78: {  	_ =	shalt  }
0x79: {  	_ =	shalt  }
0x7a: {  	_ =	shalt  }
0x7b: {  	_ =	shalt  }
0x7c: {  	_ =	shalt  }
0x7d: {  	_ =	shalt  }
0x7e: {  	_ =	shalt  }
0x7f: {  	_ =	shalt  }
0x80: {  	_ =	shalt  }
0x81: {  	_ =	shalt  }
0x82: {  	_ =	shalt  }
0x83: {  	_ =	shalt  }
0x84: {  	_ =	shalt  }
0x85: {  	_ =	shalt  }
0x86: {  	_ =	shalt  }
0x87: {  	_ =	shalt  }
.Lfunc_end0:
.L_simem_size_0:
called_computation_lowered:
.L_overlay_start_0:
0x88: {  	s2 =	sld [smem:$0x3FD9]  }
0x89: {  	s3 =	sld [smem:$0x3FFE];
	_ =	sdelay $0x1  }
0x8a: {  	s1 =	srdreg.scid  }
0x8b: {  	s0 =	sand.u32 $0x1, s1  }
0x8c: {  	s18 =	sshll.u32 s0, $0xA;
	s2 =	sadd.s32 s3, s2  }
0x8d: {  	s2 =	sadd.s32 s2, s18  }
0x8e: {  	[smem:$0x3FC7] =	sst s2  }
0x8f: {  	_ = 	snop  }
0x90: {  	s2 =	sld [smem:$0x3FC9]  }
0x91: {  	s19 =	sld [smem:$0x3FD0];
	(tm) =	ssettm $0x1  }
0x92: {  	s4 =	sld [smem:$0x3FFB];
	_ =	sdelay $0x3  }
0x93: {  	_ =	strace s4  }
0x94: {  	s4 =	sld [smem:$0x3FFC];
	_ =	sdelay $0x3  }
0x95: {  	_ =	strace s4  }
0x96: {  	s4 =	sld [smem:$0x3FFD];
	_ =	sdelay $0x3  }
0x97: {  	_ =	strace s4  }
0x98: {  	_ =	strace $0x8FFFFFFF  }
0x99: {  	s20 =	sld [smem:$0x3FDB];
	_ =	sdelay $0x1  }
0x9a: {  	s5 =	simm.s32 $_scs_section_size  }
0x9b: {  	s6 =	simm.s32 $_size__tile_overlayer_lowered;
	s7 =	simm.s32 $_tile_overlayer_lowered  }
0x9c: {  	s23 =	simm.s32 $0x1BFF;
	s22 =	sshll.u32 s7, $0x1;
	s4 =	sadd.s32 s5, s20  }
0x9d: {  	s8 =	simm.s32 $0x0;
	s21 =	sshll.u32 s6, $0x1;
	s6 =	sadd.s32 s22, s4  }
0x9e: {  	[timem:s8], [sflag:s23] =	dma.local [hbm:s6], s21  }
0x9f: {  	_ =	swait.ge [sflag:s23], s21  }
0xa0: {  	s5 =	ssub.s32 $0x0, s21;
	[sflag:s23] =	ssyncset.done $0x0  }
0xa1: {  	[sflag:s23] =	ssyncadd.s32 s5;
	_ =	sdelay $0x1  }
0xa2: {  	s24 =	simm.s32 $0x1B8B  }
0xa3: {  	_ =	swait.ge [sflag:s24], $0x1  }
0xa4: {  	[sflag:s24] =	ssyncset.done $0x0  }
0xa5: {  	s25 =	simm.s32 $0x1B8E;
	[sflag:s24] =	ssyncadd.s32 $0xFFFFFFFF  }
0xa6: {  	s26 =	simm.s32 $execute0_lowered;
	[smem:$0x3FD2] =	sst s25  }
0xa7: {  	s5 =	sshll.u32 s26, $0x1;
	_ =	strace $0x80000046;
	[dreg:$0x1] =	wrdreg $0xFFFFFFFF  }
0xa8: {  	s28 =	simm.s32 $_size_execute0_lowered;
	s4 =	sadd.s32 s4, s5;
	[dreg:$0x0] =	wrdreg $0x0  }
0xa9: {  	s5 =	sshll.u32 s28, $0x1;
	[dreg:$0x2] =	wrdreg s4  }
0xaa: {  	[dreg:$0x3] =	wrdreg s5  }
0xab: {  	[dreg:$0x4] =	wrdreg $0xC0  }
0xac: {  	_ =	task [dreg:s8], $0x5FFFF  }
0xad: {  	[dreg:$0x1] =	wrdreg $0xFFFFFFFF  }
0xae: {  	[dreg:$0x0] =	wrdreg $0x60  }
0xaf: {  	[dreg:$0x2] =	wrdreg s2  }
0xb0: {  	[dreg:$0x3] =	wrdreg s19  }
0xb1: {  	[dreg:$0x4] =	wrdreg $0x9  }
0xb2: {  	_ =	task.clear_ibuf [dreg:s8], $0x5FFFF;
	_ =	strace $0x90000046  }
0xb3: {  	s29 =	simm.s32 $0x9;
	_ =	strace $0x80000048  }
0xb4: {  	_ =	swait.ge [sflag:s29], $0x1  }
0xb5: {  	[sflag:s29] =	ssyncadd.s32 $0xFFFFFFFF  }
0xb6: {  	_ =	strace $0x90000048  }
0xb7: {  	_ =	sfence  }
0xb8: {  	s30 =	sld [smem:$0x0];
	_ =	sdelay $0x2  }
0xb9: {  	s31 =	sshll.u32 s1, $0xD;
	s1 =	sshrl.u32 s1, $0x2  }
0xba: {  	s3 =	sand.u32 $0x4000, s31;
	s1 =	sadd.s32 s1, s30  }
0xbb: {  	s0 =	sor.u32 s3, s0;
	s1 =	sshll.u32 s1, $0x11  }
0xbc: {  	s0 =	sor.u32 s1, s0  }
0xbd: {  	s0 =	sadd.s32 $0x8F2B, s0  }
0xbe: {  	[sflag:s0] =	ssyncadd.remote.s32 $0x1  }
0xbf: {  	_ =	sfence.sel $0xFFFF  }
0xc0: {  	[dreg:$0x0] =	wrdreg $0xFFFFFFFF;
	(pc) =	sbr.abs _section_cstart, $3  }
0xc1: {  	[dreg:$0x1] =	wrdreg $0xFFFFFFFF  }
0xc2: {  	_ =	task.clear_ibuf [dreg:s8], $0x2FFFF;
	_ =	strace $0x9FFFFFFF  }
0xc3: {  	(tm) =	ssettm $0x7FFFFFFF  }
tec
execute0_lowered:
.L_overlay_start_1:
0x0: {  	(tag) =	ssettag $0x1  }
0x1: {  	s11 =	rddreg [dreg:$0x0]  }
0x2: {  	s12 =	rddreg [dreg:$0x1];
	s1 =	srdreg.scid  }
0x3: {  	s0 =	rddreg [dreg:$0x2];
	s2 =	simm.s32 $0x0;
	s18 =	simm.s32 $0x2000  }
0x4: {  	s19 =	simm.s32 $0x3000;
	s20 =	simm.s32 $0x1;
	s21 =	simm.s32 $0x0  }
0x5: {  	s13 =	sand.u32 $0x1, s1;
	[smem:$0x7FF] =	sst s2;
	s1 =	stileid.u32  }
0x6: {  	s9 =	sadd.s32 $0x80, s11;
	s14 =	sadd.s32 $0x40000, s12;
	s3 =	ssub.s32 $0x2, s13  }
0x7: {  	s5 =	sshll.u32 s1, $0xA;
	s6 =	sshll.u32 s13, $0x9;
	_ =	strace $0x80000047  }
0x8: {  	s16 =	sshll.u32 s1, $0xE;
	s31 =	sshll.u32 s1, $0xF;
	s17 =	sshll.u32 s13, $0xD  }
0x9: {  	s13 =	sshll.u32 s13, $0xE;
	s4 =	sshrl.u32 s3, $0x1;
	s6 =	sor.u32 s6, s5  }
0xa: {  	s3 =	ssub.s32 s3, s4;
	s5 =	sshll.u32 s6, $0x5;
	s10 =	sor.u32 $0x20, s6  }
0xb: {  	s7 =	sshll.u32 s6, $0x4;
	s3 =	smax.u32 s3, $0x1;
	s4 =	sadd.s32 s11, s5  }
0xc: {  	s5 =	sadd.s32 s5, s9;
	s15 =	sshll.u32 s10, $0x5;
	s6 =	sadd.s32 s12, s7  }
0xd: {  	s7 =	sadd.s32 s7, s14;
	s30 =	sshll.u32 s10, $0x4;
	s8 =	sadd.s32 s11, s15  }
0xe: {  	s9 =	sadd.s32 s15, s9;
	s10 =	sadd.s32 s12, s30;
	s12 =	sadd.s32 s16, s12  }
0xf: {  	s16 =	sadd.s32 s31, s11;
	s11 =	sadd.s32 s30, s14;
	s14 =	simm.s32 $0x400  }
0x10: {  	s15 =	simm.s32 $0x800;
	s12 =	sadd.s32 s17, s12;
	s13 =	sadd.s32 s13, s16  }
0x11: {  	s16 =	simm.s32 $0x2;
	s17 =	simm.s32 $0x1000;
	s13 =	sadd.s32 $0x880, s13  }
.LBB2_1:
0x12: {  	[tilespmem:s2], [sflag:$0x2] =	stream.strided.gather [hbm4b:s4+s14], $0x1000, s15, s14, $0x38;
	[tilespmem:$0x4000] =	vst v63  }
0x13: {  	_ =	swait.ge [sflag:s16], $0x1000  }
0x14: {  	[sflag:s16] =	ssyncset.done $0x0  }
0x15: {  	[sflag:s16] =	ssyncadd.s32 $0xFFFFF000  }
0x16: {  	[tilespmem:s17], [sflag:$0x2] =	stream.strided.gather [hbm4b:s5+s14], $0x1000, s15, s14, $0x38;
	[tilespmem:$0x4000] =	vst v63  }
0x17: {  	_ =	swait.ge [sflag:s16], $0x1000  }
0x18: {  	[sflag:s16] =	ssyncset.done $0x0  }
0x19: {  	[sflag:s16] =	ssyncadd.s32 $0xFFFFF000  }
0x1a: {  	[hbm4b:s6+s2] =	stream.linear.scatter [tilespmem:s2], [sflag:$0x1], $0x1000, $0x38;
	[tilespmem:$0x4000] =	vst v63  }
0x1b: {  	_ = 	snop  }
0x1c: {  	[hbm4b:s7+s2] =	stream.linear.scatter [tilespmem:s17], [sflag:$0x1], $0x1000, $0x38;
	[tilespmem:$0x4000] =	vst v63  }
0x1d: {  	_ = 	snop  }
0x1e: {  	[tilespmem:s18], [sflag:$0x2] =	stream.strided.gather [hbm4b:s8+s14], $0x1000, s15, s14, $0x38;
	[tilespmem:$0x4000] =	vst v63  }
0x1f: {  	_ =	swait.ge [sflag:s16], $0x1000  }
0x20: {  	[sflag:s16] =	ssyncset.done $0x0  }
0x21: {  	[sflag:s16] =	ssyncadd.s32 $0xFFFFF000  }
0x22: {  	[tilespmem:s19], [sflag:$0x2] =	stream.strided.gather [hbm4b:s9+s14], $0x1000, s15, s14, $0x38;
	[tilespmem:$0x4000] =	vst v63  }
0x23: {  	_ =	swait.ge [sflag:s16], $0x1000  }
0x24: {  	[sflag:s16] =	ssyncset.done $0x0  }
0x25: {  	[sflag:s16] =	ssyncadd.s32 $0xFFFFF000  }
0x26: {  	[hbm4b:s10+s2] =	stream.linear.scatter [tilespmem:s18], [sflag:$0x1], $0x1000, $0x38;
	[tilespmem:$0x4000] =	vst v63  }
0x27: {  	_ = 	snop  }
0x28: {  	[hbm4b:s11+s2] =	stream.linear.scatter [tilespmem:s19], [sflag:$0x1], $0x1000, $0x38;
	[tilespmem:$0x4000] =	vst v63  }
0x29: {  	_ =	swait.ge [sflag:s20], $0x1000  }
0x2a: {  	[sflag:s20] =	ssyncset.done $0x0  }
0x2b: {  	[sflag:s20] =	ssyncadd.s32 $0xFFFFF000  }
0x2c: {  	_ =	swait.ge [sflag:s20], $0x1000  }
0x2d: {  	s22 =	simm.s32 $0x4000;
	[sflag:s20] =	ssyncset.done $0x0  }
0x2e: {  	s23 =	sadd.s32 $0xFFFFFF80, s13;
	s22 =	sand.u32 $0x2000, s22;
	[sflag:s20] =	ssyncadd.s32 $0xFFFFF000  }
0x2f: {  	[tilespmem:s22], [sflag:$0x2] =	stream.strided.gather [hbm4b:s23+s14], $0x1000, s15, s14, $0x38;
	[tilespmem:$0x4000] =	vst v63  }
0x30: {  	_ =	swait.ge [sflag:s16], $0x1000  }
0x31: {  	[sflag:s16] =	ssyncset.done $0x0  }
0x32: {  	s25 =	sor.u32 $0x1000, s22;
	[sflag:s16] =	ssyncadd.s32 $0xFFFFF000  }
0x33: {  	[tilespmem:s25], [sflag:$0x2] =	stream.strided.gather [hbm4b:s13+s14], $0x1000, s15, s14, $0x38;
	[tilespmem:$0x4000] =	vst v63  }
0x34: {  	_ =	swait.ge [sflag:s16], $0x1000  }
0x35: {  	s31 =	sadd.s32 $0x0, s12;
	[sflag:s16] =	ssyncset.done $0x0  }
0x36: {  	s24 =	sadd.s32 $0x400, s31;
	s26 =	sadd.s32 $0x40400, s31;
	[sflag:s16] =	ssyncadd.s32 $0xFFFFF000  }
0x37: {  	[hbm4b:s24+s2] =	stream.linear.scatter [tilespmem:s22], [sflag:$0x1], $0x1000, $0x38;
	[tilespmem:$0x4000] =	vst v63  }
0x38: {  	s23 =	simm.s32 $0x6000;
	s22 =	simm.s32 $0x200;
	s24 =	sadd.s32 $0x400, s13  }
.LBB2_2:
0x39: {  	[hbm4b:s26+s2] =	stream.linear.scatter [tilespmem:s25], [sflag:$0x1], $0x1000, $0x38;
	[tilespmem:$0x4000] =	vst v63  }
0x3a: {  	s26 =	smov.u32 s22  }
0x3b: {  	p0 =	sne.s32 s22, $0x1A00;
	s22 =	sadd.s32 $0x200, s22;
	_ =	swait.ge [sflag:s20], $0x1000  }
0x3c: {  	[sflag:s20] =	ssyncset.done $0x0  }
0x3d: {  	[sflag:s20] =	ssyncadd.s32 $0xFFFFF000  }
0x3e: {  	_ =	swait.ge [sflag:s20], $0x1000  }
0x3f: {  	[sflag:s20] =	ssyncset.done $0x0  }
0x40: {  	s28 =	sand.u32 $0x2000, s23;
	s25 =	sadd.s32 $0xFFFFFF80, s24;
	[sflag:s20] =	ssyncadd.s32 $0xFFFFF000  }
0x41: {  	[tilespmem:s28], [sflag:$0x2] =	stream.strided.gather [hbm4b:s25+s14], $0x1000, s15, s14, $0x38;
	[tilespmem:$0x4000] =	vst v63  }
0x42: {  	_ =	swait.ge [sflag:s16], $0x1000  }
0x43: {  	[sflag:s16] =	ssyncset.done $0x0  }
0x44: {  	s25 =	sor.u32 $0x1000, s28;
	[sflag:s16] =	ssyncadd.s32 $0xFFFFF000  }
0x45: {  	[tilespmem:s25], [sflag:$0x2] =	stream.strided.gather [hbm4b:s24+s14], $0x1000, s15, s14, $0x38;
	[tilespmem:$0x4000] =	vst v63  }
.Ltmp0:
0x46: {  	_ =	swait.ge [sflag:s16], $0x1000;
	(pc) =	sbr.rel @p0 .LBB2_2-.Ltmp0, $4  }
0x47: {  	s26 =	sadd.s32 s26, s12;
	[sflag:s16] =	ssyncset.done $0x0  }
0x48: {  	s29 =	sadd.s32 $0x400, s26;
	[sflag:s16] =	ssyncadd.s32 $0xFFFFF000  }
0x49: {  	[hbm4b:s29+s2] =	stream.linear.scatter [tilespmem:s28], [sflag:$0x1], $0x1000, $0x38;
	[tilespmem:$0x4000] =	vst v63  }
0x4a: {  	s23 =	sadd.s32 $0x2000, s23;
	s26 =	sadd.s32 $0x40400, s26;
	s24 =	sadd.s32 $0x400, s24  }
0x4b: {  	[hbm4b:s26+s2] =	stream.linear.scatter [tilespmem:s25], [sflag:$0x1], $0x1000, $0x38;
	[tilespmem:$0x4000] =	vst v63  }
0x4c: {  	_ =	swait.ge [sflag:s20], $0x1000  }
0x4d: {  	[sflag:s20] =	ssyncset.done $0x0  }
0x4e: {  	[sflag:s20] =	ssyncadd.s32 $0xFFFFF000  }
0x4f: {  	_ =	swait.ge [sflag:s20], $0x1000  }
0x50: {  	[sflag:s20] =	ssyncset.done $0x0  }
0x51: {  	s21 =	sadd.s32 $0x1, s21;
	[sflag:s20] =	ssyncadd.s32 $0xFFFFF000  }
0x52: {  	p0 =	sne.s32 s21, s3;
	_ =	swait.ge [sflag:s20], $0x1000  }
.Ltmp1:
0x53: {  	[sflag:s20] =	ssyncset.done $0x0;
	(pc) =	sbr.rel @p0 .LBB2_1-.Ltmp1, $4  }
0x54: {  	[sflag:s20] =	ssyncadd.s32 $0xFFFFF000  }
0x55: {  	_ =	swait.ge [sflag:s20], $0x1000  }
0x56: {  	[sflag:s20] =	ssyncset.done $0x0  }
0x57: {  	[sflag:s20] =	ssyncadd.s32 $0xFFFFF000  }
0x58: {  	_ =	sfence.sel $0x180000  }
0x59: {  	[bflag:$0x0] =	sbarrier.arrive $0xFFFF  }
0x5a: {  	p0 =	sne.s32 s1, $0x0;
	_ =	strace $0x90000047  }
0x5b: {  	s0 =	sadd.s32 @!p0 $0x100000, s0;
	[bflag:$0x2] =	sbarrier.arrive $0xFFFF  }
0x5c: {  	[sflag:s0] =	ssyncadd.tile.s32 @!p0 $0x1;
	_ =	shalt  }
.Lfunc_end2:
_tile_overlayer_lowered:
.L_overlay_start_2:
0x5d: {  	(tag) =	ssettag $0x2  }
0x5e: {  	s0 =	rddreg [dreg:$0x0];
	s2 =	stileid.u32  }
0x5f: {  	s1 =	rddreg [dreg:$0x1];
	p0 =	sne.s32 s2, $0x0  }
0x60: {  	s3 =	rddreg [dreg:$0x2];
	[bflag:$0x3] =	sbarrier.arrive $0xFFFF;
	s2 =	simm.s32 @!p0 $0x1C02  }
0x61: {  	[timem:s3], [sflag:s2] =	dma.local @!p0 [hbm:s0], s1  }
0x62: {  	s0 =	simm.s32 @!p0 $0x2  }
0x63: {  	_ =	swait.ge @!p0 [sflag:s0], s1  }
0x64: {  	s1 =	ssub.s32 @!p0 $0x0, s1;
	[sflag:s0] =	ssyncset.done @!p0 $0x0  }
0x65: {  	[sflag:s0] =	ssyncadd.s32 @!p0 s1  }
0x66: {  	[bflag:$0x3] =	sbarrier.arrive $0xFFFF  }
0x67: {  	_ =	shalt  }

</sc_bundles>
